<compile_context>
chip_gen: v7x
topology: tpu7x:2x2x1
jax: 0.10.2.dev20260603
libtpu: 0.0.44.dev20260713+nightly
codegen_flags: <defaults>
</compile_context>

<pallas_src>
import functools

import jax
import jax.numpy as jnp
from jax import lax
from jax.experimental import pallas as pl
from jax.experimental.pallas import tpu as pltpu
from jax.experimental.pallas import tpu_sc as plsc

_LANES = 16
_DIM = 64
_CHUNKS = _DIM // _LANES


def _extract0(vec):
    lane = lax.iota(jnp.int32, _LANES)
    return jnp.min(jnp.where(lane == 0, vec, jnp.int32(2147483647)))


def _column(window_ref, col):
    lane = lax.iota(jnp.int32, _LANES)
    cols = jnp.full((_LANES,), col, dtype=jnp.int32)
    return [
        plsc.load_gather(window_ref, [lane + jnp.int32(c * _LANES), cols])
        for c in range(_CHUNKS)
    ]


def _sc_kernel(idx_hbm, nidx_hbm, len_hbm, tt_hbm, out_hbm,
               idx_v, nidx_v, len_v, wa, wb, out_v, sem_i, sem_n, sem_l,
               sem_a, sem_b):
    wid = lax.axis_index("s") + lax.axis_index("c")

    @pl.when(wid == 0)
    def _():
        cp_i = pltpu.async_copy(idx_hbm.at[pl.ds(0, _LANES)], idx_v, sem_i)
        cp_n = pltpu.async_copy(nidx_hbm.at[pl.ds(0, _LANES)], nidx_v, sem_n)
        cp_l = pltpu.async_copy(len_hbm, len_v.at[pl.ds(0, 1)], sem_l)
        cp_i.wait()
        cp_n.wait()
        ia = _extract0(idx_v[...])
        ib = _extract0(nidx_v[...])
        sa = pl.multiple_of((ia // 128) * 128, 128)
        sb = pl.multiple_of((ib // 128) * 128, 128)
        cp_a = pltpu.async_copy(tt_hbm.at[:, pl.ds(sa, 128)], wa, sem_a)
        cp_b = pltpu.async_copy(tt_hbm.at[:, pl.ds(sb, 128)], wb, sem_b)
        cp_a.wait()
        cp_b.wait()
        a = _column(wa, ia - sa)
        b = _column(wb, ib - sb)
        d = [jnp.abs(x - y) for x, y in zip(a, b)]
        lane = lax.iota(jnp.int32, _LANES)
        d[-1] = jnp.where(lane < 2, d[-1], jnp.float32(jnp.inf))
        m = jnp.minimum(jnp.minimum(d[0], d[1]), jnp.minimum(d[2], d[3]))
        min_d = jnp.min(m)
        cp_l.wait()
        lvec = len_v[...]
        ls = jnp.min(jnp.where(lane == 0, lvec, jnp.float32(jnp.inf)))
        l1 = jnp.abs(min_d - ls)
        loss = jnp.where(min_d < ls, jnp.float32(100.0) * l1, l1)
        out_v[...] = jnp.broadcast_to(loss, (_LANES,))
        pltpu.sync_copy(out_v, out_hbm)


def kernel(index_vec, neighbor_index_vec, len_sum, table):
    tt = table.T
    len_arr = jnp.reshape(len_sum, (1,))
    mesh = plsc.VectorSubcoreMesh(core_axis_name="c", subcore_axis_name="s",
                                  num_cores=1, num_subcores=1)
    run = functools.partial(
        pl.kernel,
        out_type=jax.ShapeDtypeStruct((_LANES,), jnp.float32),
        mesh=mesh,
        scratch_types=[
            pltpu.VMEM((_LANES,), jnp.int32),
            pltpu.VMEM((_LANES,), jnp.int32),
            pltpu.VMEM((_LANES,), jnp.float32),
            pltpu.VMEM((_DIM, 128), jnp.float32),
            pltpu.VMEM((_DIM, 128), jnp.float32),
            pltpu.VMEM((_LANES,), jnp.float32),
            pltpu.SemaphoreType.DMA,
            pltpu.SemaphoreType.DMA,
            pltpu.SemaphoreType.DMA,
            pltpu.SemaphoreType.DMA,
            pltpu.SemaphoreType.DMA,
        ],
        compiler_params=pltpu.CompilerParams(use_tc_tiling_on_sc=True,
                                             needs_layout_passes=False,
                                             skip_device_barrier=True,
                                             disable_semaphore_checks=True),
    )(_sc_kernel)
    out = run(index_vec.astype(jnp.int32), neighbor_index_vec.astype(jnp.int32),
              len_arr, tt)
    return out[0]

# --- scband reference (transcript-rebuilt; emitter-appended) ---
"""Pipeline reference for scband-box-network-40802189312698 (READ-ONLY COPY).

The authoritative reference and input builder live on the scoring server;
editing this copy changes nothing except your own understanding.
"""

import jax, jax.numpy as jnp
import numpy as np

ENTITY_SIZE = 1000000
CENTER_SIZE = 64
N = 16384


def setup_inputs(seed: int = 0) -> dict:
    key = jax.random.key(seed)
    k1, k2, k3, k4 = jax.random.split(key, 4)
    table = jax.random.normal(k1, (ENTITY_SIZE, CENTER_SIZE), dtype=jnp.float32)
    index_vec = jax.random.randint(k2, (N,), 0, ENTITY_SIZE, dtype=jnp.int64 if jax.config.jax_enable_x64 else jnp.int32)
    neighbor_index_vec = jax.random.randint(k3, (N,), 0, ENTITY_SIZE, dtype=jnp.int64 if jax.config.jax_enable_x64 else jnp.int32)
    len_sum = jax.random.uniform(k4, (), dtype=jnp.float32)
    return {"index_vec": index_vec, "neighbor_index_vec": neighbor_index_vec, "len_sum": len_sum, "table": table}


def reference(index_vec, neighbor_index_vec, len_sum, table):
    # Embedding lookups (gather) over the full batch, as in the torch forward
    center_vector = jnp.take(table, index_vec, axis=0)
    neighbor_vector = jnp.take(table, neighbor_index_vec, axis=0)
    # python loop over first 50 dims of row 0, tracking the min |diff|
    d = jnp.abs(center_vector[0] - neighbor_vector[0])[:50]
    min_distance = jnp.min(d)
    # L1Loss between scalar min_distance and scalar len_sum (mean reduction over scalar = abs diff)
    l1 = jnp.abs(min_distance - len_sum)
    loss = jnp.where(min_distance < len_sum, 100.0 * l1, l1)
    return loss

if __name__ == "__main__":
    import jax
    _d = setup_inputs()
    print(jax.jit(kernel)(*tuple(_d.values())))

</pallas_src>

<mosaic_0001>
#map = affine_map<(d0, d1) -> (0)>
#map1 = affine_map<(d0, d1) -> (0, 0)>
module attributes {stable_mosaic.version = 14 : i64} {
  func.func @_sc_kernel(%arg0: i32, %arg1: i32, %arg2: memref<16384xi32, #tpu.memory_space<hbm>>, %arg3: memref<16384xi32, #tpu.memory_space<hbm>>, %arg4: memref<1xf32, #tpu.memory_space<hbm>>, %arg5: memref<64x1000000xf32, #tpu.memory_space<hbm>>, %arg6: memref<16xf32, #tpu.memory_space<hbm>>, %arg7: memref<16xi32, #tpu.memory_space<vmem>>, %arg8: memref<16xi32, #tpu.memory_space<vmem>>, %arg9: memref<16xf32, #tpu.memory_space<vmem>>, %arg10: memref<64x128xf32, #tpu.memory_space<vmem>>, %arg11: memref<64x128xf32, #tpu.memory_space<vmem>>, %arg12: memref<16xf32, #tpu.memory_space<vmem>>, %arg13: memref<!tpu.dma_semaphore, #tpu.memory_space<semaphore_mem>>, %arg14: memref<!tpu.dma_semaphore, #tpu.memory_space<semaphore_mem>>, %arg15: memref<!tpu.dma_semaphore, #tpu.memory_space<semaphore_mem>>, %arg16: memref<!tpu.dma_semaphore, #tpu.memory_space<semaphore_mem>>, %arg17: memref<!tpu.dma_semaphore, #tpu.memory_space<semaphore_mem>>) attributes {dimension_semantics = [#tpu.dimension_semantics<core_parallel>, #tpu.dimension_semantics<subcore_parallel>], iteration_bounds = array<i64: 1, 1>, scalar_prefetch = 0 : i64, scratch_operands = 11 : i64, tpu.core_type = #tpu.core_type<sc_vector_subcore>, window_params = [{transform_indices = #map}, {transform_indices = #map}, {transform_indices = #map}, {transform_indices = #map1}, {transform_indices = #map}]} {
    %add3A = arith.addi %arg1, %arg0 : i32
    %eq3A = arith.constant 0 : i32
    %eq3A_0 = arith.cmpi eq, %add3A, %eq3A : i32
    %convert_element_type3A = arith.extui %eq3A_0 : i1 to i32
    %cond3A = arith.constant 0 : i32
    %cond3A_1 = arith.cmpi ne, %convert_element_type3A, %cond3A : i32
    scf.if %cond3A_1 {
      %dma_start3A = arith.constant 0 : i32
      %dma_start3A_2 = tpu.memref_slice %arg2[%dma_start3A] : memref<16384xi32, #tpu.memory_space<hbm>> -> memref<16xi32, #tpu.memory_space<hbm>>
      %dma_start3A_3 = arith.constant 0 : i32
      %dma_start3A_4 = tpu.memref_slice %arg2[%dma_start3A_3] : memref<16384xi32, #tpu.memory_space<hbm>> -> memref<16xi32, #tpu.memory_space<hbm>>
      tpu.enqueue_dma source(%dma_start3A_4 : memref<16xi32, #tpu.memory_space<hbm>>) target(%arg7 : memref<16xi32, #tpu.memory_space<vmem>>) target_semaphore(%arg13 : memref<!tpu.dma_semaphore, #tpu.memory_space<semaphore_mem>>)
      %dma_start3A_5 = arith.constant 0 : i32
      %dma_start3A_6 = tpu.memref_slice %arg3[%dma_start3A_5] : memref<16384xi32, #tpu.memory_space<hbm>> -> memref<16xi32, #tpu.memory_space<hbm>>
      %dma_start3A_7 = arith.constant 0 : i32
      %dma_start3A_8 = tpu.memref_slice %arg3[%dma_start3A_7] : memref<16384xi32, #tpu.memory_space<hbm>> -> memref<16xi32, #tpu.memory_space<hbm>>
      tpu.enqueue_dma source(%dma_start3A_8 : memref<16xi32, #tpu.memory_space<hbm>>) target(%arg8 : memref<16xi32, #tpu.memory_space<vmem>>) target_semaphore(%arg14 : memref<!tpu.dma_semaphore, #tpu.memory_space<semaphore_mem>>)
      %dma_start3A_9 = arith.constant 0 : i32
      %dma_start3A_10 = tpu.memref_slice %arg9[%dma_start3A_9] : memref<16xf32, #tpu.memory_space<vmem>> -> memref<1xf32, #tpu.memory_space<vmem>>
      %dma_start3A_11 = arith.constant 0 : i32
      %dma_start3A_12 = tpu.memref_slice %arg9[%dma_start3A_11] : memref<16xf32, #tpu.memory_space<vmem>> -> memref<1xf32, #tpu.memory_space<vmem>>
      tpu.enqueue_dma source(%arg4 : memref<1xf32, #tpu.memory_space<hbm>>) target(%dma_start3A_12 : memref<1xf32, #tpu.memory_space<vmem>>) target_semaphore(%arg15 : memref<!tpu.dma_semaphore, #tpu.memory_space<semaphore_mem>>)
      %dma_wait3A = arith.constant 0 : i32
      %dma_wait3A_13 = tpu.memref_slice %arg2[%dma_wait3A] : memref<16384xi32, #tpu.memory_space<hbm>> -> memref<16xi32, #tpu.memory_space<hbm>>
      %dma_wait3A_14 = arith.constant 0 : i32
      %dma_wait3A_15 = tpu.memref_slice %arg2[%dma_wait3A_14] : memref<16384xi32, #tpu.memory_space<hbm>> -> memref<16xi32, #tpu.memory_space<hbm>>
      tpu.wait_dma2 semaphore(%arg13 : memref<!tpu.dma_semaphore, #tpu.memory_space<semaphore_mem>>) src(%dma_wait3A_15 : memref<16xi32, #tpu.memory_space<hbm>>) dst(%arg7 : memref<16xi32, #tpu.memory_space<vmem>>)
      %dma_wait3A_16 = arith.constant 0 : i32
      %dma_wait3A_17 = tpu.memref_slice %arg3[%dma_wait3A_16] : memref<16384xi32, #tpu.memory_space<hbm>> -> memref<16xi32, #tpu.memory_space<hbm>>
      %dma_wait3A_18 = arith.constant 0 : i32
      %dma_wait3A_19 = tpu.memref_slice %arg3[%dma_wait3A_18] : memref<16384xi32, #tpu.memory_space<hbm>> -> memref<16xi32, #tpu.memory_space<hbm>>
      tpu.wait_dma2 semaphore(%arg14 : memref<!tpu.dma_semaphore, #tpu.memory_space<semaphore_mem>>) src(%dma_wait3A_19 : memref<16xi32, #tpu.memory_space<hbm>>) dst(%arg8 : memref<16xi32, #tpu.memory_space<vmem>>)
      %get3A = arith.constant 0 : index
      %get3A_20 = tpu.vector_load %arg7[%get3A] {strides = array<i32>} : memref<16xi32, #tpu.memory_space<vmem>>, vector<16xi32>,
      %iota3A = tpu.iota {dimensions = array<i32: 0>} : vector<16xi32>
      %eq3A_21 = arith.constant 0 : i32
      %eq3A_22 = vector.broadcast %eq3A_21 : i32 to vector<16xi32>
      %eq3A_23 = arith.cmpi eq, %iota3A, %eq3A_22 : vector<16xi32>
      %jit3A = arith.constant 2147483647 : i32
      %broadcast_in_dim3A = vector.broadcast %jit3A : i32 to vector<16xi32>
      %select_n3A = arith.select %eq3A_23, %get3A_20, %broadcast_in_dim3A : vector<16xi1>, vector<16xi32>
      %reduce_min3A = arith.constant true
      %reduce_min3A_24 = vector.broadcast %reduce_min3A : i1 to vector<16xi1>
      %reduce_min3A_25 = arith.constant -2147483648 : i32
      %reduce_min3A_26 = vector.broadcast %reduce_min3A_25 : i32 to vector<16xi32>
      %reduce_min3A_27 = arith.xori %select_n3A, %reduce_min3A_26 : vector<16xi32>
      %reduce_min3A_28 = tpu.scan <min>, %reduce_min3A_27 masked %reduce_min3A_24 : vector<16xi32>, vector<16xi1> -> vector<16xi32>
      %reduce_min3A_29 = arith.xori %reduce_min3A_28, %reduce_min3A_26 : vector<16xi32>
      %reduce_min3A_30 = vector.extract %reduce_min3A_29[15] : i32 from vector<16xi32>
      %get3A_31 = arith.constant 0 : index
      %get3A_32 = tpu.vector_load %arg8[%get3A_31] {strides = array<i32>} : memref<16xi32, #tpu.memory_space<vmem>>, vector<16xi32>,
      %iota3A_33 = tpu.iota {dimensions = array<i32: 0>} : vector<16xi32>
      %eq3A_34 = arith.constant 0 : i32
      %eq3A_35 = vector.broadcast %eq3A_34 : i32 to vector<16xi32>
      %eq3A_36 = arith.cmpi eq, %iota3A_33, %eq3A_35 : vector<16xi32>
      %jit3A_37 = arith.constant 2147483647 : i32
      %broadcast_in_dim3A_38 = vector.broadcast %jit3A_37 : i32 to vector<16xi32>
      %select_n3A_39 = arith.select %eq3A_36, %get3A_32, %broadcast_in_dim3A_38 : vector<16xi1>, vector<16xi32>
      %reduce_min3A_40 = arith.constant true
      %reduce_min3A_41 = vector.broadcast %reduce_min3A_40 : i1 to vector<16xi1>
      %reduce_min3A_42 = arith.constant -2147483648 : i32
      %reduce_min3A_43 = vector.broadcast %reduce_min3A_42 : i32 to vector<16xi32>
      %reduce_min3A_44 = arith.xori %select_n3A_39, %reduce_min3A_43 : vector<16xi32>
      %reduce_min3A_45 = tpu.scan <min>, %reduce_min3A_44 masked %reduce_min3A_41 : vector<16xi32>, vector<16xi1> -> vector<16xi32>
      %reduce_min3A_46 = arith.xori %reduce_min3A_45, %reduce_min3A_43 : vector<16xi32>
      %reduce_min3A_47 = vector.extract %reduce_min3A_46[15] : i32 from vector<16xi32>
      %jit3A_48 = arith.constant 128 : i32
      %div3A = arith.divsi %reduce_min3A_30, %jit3A_48 : i32
      %sign3A = arith.constant 0 : i32
      %sign3A_49 = arith.cmpi sgt, %reduce_min3A_30, %sign3A : i32
      %sign3A_50 = arith.extui %sign3A_49 : i1 to i32
      %sign3A_51 = arith.constant 0 : i32
      %sign3A_52 = arith.cmpi slt, %reduce_min3A_30, %sign3A_51 : i32
      %sign3A_53 = arith.extui %sign3A_52 : i1 to i32
      %sign3A_54 = arith.subi %sign3A_50, %sign3A_53 : i32
      %sign3A_55 = arith.constant 0 : i32
      %sign3A_56 = arith.cmpi sgt, %jit3A_48, %sign3A_55 : i32
      %sign3A_57 = arith.extui %sign3A_56 : i1 to i32
      %sign3A_58 = arith.constant 0 : i32
      %sign3A_59 = arith.cmpi slt, %jit3A_48, %sign3A_58 : i32
      %sign3A_60 = arith.extui %sign3A_59 : i1 to i32
      %sign3A_61 = arith.subi %sign3A_57, %sign3A_60 : i32
      %ne3A = arith.cmpi ne, %sign3A_54, %sign3A_61 : i32
      %rem3A = arith.remsi %reduce_min3A_30, %jit3A_48 : i32
      %ne3A_62 = arith.constant 0 : i32
      %ne3A_63 = arith.cmpi ne, %rem3A, %ne3A_62 : i32
      %and3A = arith.andi %ne3A, %ne3A_63 : i1
      %sub3A = arith.constant 1 : i32
      %sub3A_64 = arith.subi %div3A, %sub3A : i32
      %select_n3A_65 = arith.select %and3A, %sub3A_64, %div3A : i32
      %mul3A = arith.constant 128 : i32
      %mul3A_66 = arith.muli %select_n3A_65, %mul3A : i32
      %multiple_of3A = tpu.assume_multiple %mul3A_66, 128 : i32
      %jit3A_67 = arith.constant 128 : i32
      %div3A_68 = arith.divsi %reduce_min3A_47, %jit3A_67 : i32
      %sign3A_69 = arith.constant 0 : i32
      %sign3A_70 = arith.cmpi sgt, %reduce_min3A_47, %sign3A_69 : i32
      %sign3A_71 = arith.extui %sign3A_70 : i1 to i32
      %sign3A_72 = arith.constant 0 : i32
      %sign3A_73 = arith.cmpi slt, %reduce_min3A_47, %sign3A_72 : i32
      %sign3A_74 = arith.extui %sign3A_73 : i1 to i32
      %sign3A_75 = arith.subi %sign3A_71, %sign3A_74 : i32
      %sign3A_76 = arith.constant 0 : i32
      %sign3A_77 = arith.cmpi sgt, %jit3A_67, %sign3A_76 : i32
      %sign3A_78 = arith.extui %sign3A_77 : i1 to i32
      %sign3A_79 = arith.constant 0 : i32
      %sign3A_80 = arith.cmpi slt, %jit3A_67, %sign3A_79 : i32
      %sign3A_81 = arith.extui %sign3A_80 : i1 to i32
      %sign3A_82 = arith.subi %sign3A_78, %sign3A_81 : i32
      %ne3A_83 = arith.cmpi ne, %sign3A_75, %sign3A_82 : i32
      %rem3A_84 = arith.remsi %reduce_min3A_47, %jit3A_67 : i32
      %ne3A_85 = arith.constant 0 : i32
      %ne3A_86 = arith.cmpi ne, %rem3A_84, %ne3A_85 : i32
      %and3A_87 = arith.andi %ne3A_83, %ne3A_86 : i1
      %sub3A_88 = arith.constant 1 : i32
      %sub3A_89 = arith.subi %div3A_68, %sub3A_88 : i32
      %select_n3A_90 = arith.select %and3A_87, %sub3A_89, %div3A_68 : i32
      %mul3A_91 = arith.constant 128 : i32
      %mul3A_92 = arith.muli %select_n3A_90, %mul3A_91 : i32
      %multiple_of3A_93 = tpu.assume_multiple %mul3A_92, 128 : i32
      %dma_start3A_94 = arith.constant 0 : i32
      %dma_start3A_95 = tpu.memref_slice %arg5[%dma_start3A_94, %multiple_of3A] : memref<64x1000000xf32, #tpu.memory_space<hbm>> -> memref<64x128xf32, #tpu.memory_space<hbm>>
      %dma_start3A_96 = arith.constant 0 : i32
      %dma_start3A_97 = tpu.memref_slice %arg5[%dma_start3A_96, %multiple_of3A] : memref<64x1000000xf32, #tpu.memory_space<hbm>> -> memref<64x128xf32, #tpu.memory_space<hbm>>
      tpu.enqueue_dma source(%dma_start3A_97 : memref<64x128xf32, #tpu.memory_space<hbm>>) target(%arg10 : memref<64x128xf32, #tpu.memory_space<vmem>>) target_semaphore(%arg16 : memref<!tpu.dma_semaphore, #tpu.memory_space<semaphore_mem>>)
      %dma_start3A_98 = arith.constant 0 : i32
      %dma_start3A_99 = tpu.memref_slice %arg5[%dma_start3A_98, %multiple_of3A_93] : memref<64x1000000xf32, #tpu.memory_space<hbm>> -> memref<64x128xf32, #tpu.memory_space<hbm>>
      %dma_start3A_100 = arith.constant 0 : i32
      %dma_start3A_101 = tpu.memref_slice %arg5[%dma_start3A_100, %multiple_of3A_93] : memref<64x1000000xf32, #tpu.memory_space<hbm>> -> memref<64x128xf32, #tpu.memory_space<hbm>>
      tpu.enqueue_dma source(%dma_start3A_101 : memref<64x128xf32, #tpu.memory_space<hbm>>) target(%arg11 : memref<64x128xf32, #tpu.memory_space<vmem>>) target_semaphore(%arg17 : memref<!tpu.dma_semaphore, #tpu.memory_space<semaphore_mem>>)
      %dma_wait3A_102 = arith.constant 0 : i32
      %dma_wait3A_103 = tpu.memref_slice %arg5[%dma_wait3A_102, %multiple_of3A] : memref<64x1000000xf32, #tpu.memory_space<hbm>> -> memref<64x128xf32, #tpu.memory_space<hbm>>
      %dma_wait3A_104 = arith.constant 0 : i32
      %dma_wait3A_105 = tpu.memref_slice %arg5[%dma_wait3A_104, %multiple_of3A] : memref<64x1000000xf32, #tpu.memory_space<hbm>> -> memref<64x128xf32, #tpu.memory_space<hbm>>
      tpu.wait_dma2 semaphore(%arg16 : memref<!tpu.dma_semaphore, #tpu.memory_space<semaphore_mem>>) src(%dma_wait3A_105 : memref<64x128xf32, #tpu.memory_space<hbm>>) dst(%arg10 : memref<64x128xf32, #tpu.memory_space<vmem>>)
      %dma_wait3A_106 = arith.constant 0 : i32
      %dma_wait3A_107 = tpu.memref_slice %arg5[%dma_wait3A_106, %multiple_of3A_93] : memref<64x1000000xf32, #tpu.memory_space<hbm>> -> memref<64x128xf32, #tpu.memory_space<hbm>>
      %dma_wait3A_108 = arith.constant 0 : i32
      %dma_wait3A_109 = tpu.memref_slice %arg5[%dma_wait3A_108, %multiple_of3A_93] : memref<64x1000000xf32, #tpu.memory_space<hbm>> -> memref<64x128xf32, #tpu.memory_space<hbm>>
      tpu.wait_dma2 semaphore(%arg17 : memref<!tpu.dma_semaphore, #tpu.memory_space<semaphore_mem>>) src(%dma_wait3A_109 : memref<64x128xf32, #tpu.memory_space<hbm>>) dst(%arg11 : memref<64x128xf32, #tpu.memory_space<vmem>>)
      %sub3A_110 = arith.subi %reduce_min3A_30, %multiple_of3A : i32
      %iota3A_111 = tpu.iota {dimensions = array<i32: 0>} : vector<16xi32>
      %broadcast_in_dim3A_112 = vector.broadcast %sub3A_110 : i32 to vector<16xi32>
      %add3A_113 = arith.constant 0 : i32
      %add3A_114 = vector.broadcast %add3A_113 : i32 to vector<16xi32>
      %add3A_115 = arith.addi %iota3A_111, %add3A_114 : vector<16xi32>
      %gather3A = tpu.vector_load_idx %arg10[%add3A_115, %broadcast_in_dim3A_112] : memref<64x128xf32, #tpu.memory_space<vmem>>[vector<16xi32>, vector<16xi32>], vector<16xf32>,
      %add3A_116 = arith.constant 16 : i32
      %add3A_117 = vector.broadcast %add3A_116 : i32 to vector<16xi32>
      %add3A_118 = arith.addi %iota3A_111, %add3A_117 : vector<16xi32>
      %gather3A_119 = tpu.vector_load_idx %arg10[%add3A_118, %broadcast_in_dim3A_112] : memref<64x128xf32, #tpu.memory_space<vmem>>[vector<16xi32>, vector<16xi32>], vector<16xf32>,
      %add3A_120 = arith.constant 32 : i32
      %add3A_121 = vector.broadcast %add3A_120 : i32 to vector<16xi32>
      %add3A_122 = arith.addi %iota3A_111, %add3A_121 : vector<16xi32>
      %gather3A_123 = tpu.vector_load_idx %arg10[%add3A_122, %broadcast_in_dim3A_112] : memref<64x128xf32, #tpu.memory_space<vmem>>[vector<16xi32>, vector<16xi32>], vector<16xf32>,
      %add3A_124 = arith.constant 48 : i32
      %add3A_125 = vector.broadcast %add3A_124 : i32 to vector<16xi32>
      %add3A_126 = arith.addi %iota3A_111, %add3A_125 : vector<16xi32>
      %gather3A_127 = tpu.vector_load_idx %arg10[%add3A_126, %broadcast_in_dim3A_112] : memref<64x128xf32, #tpu.memory_space<vmem>>[vector<16xi32>, vector<16xi32>], vector<16xf32>,
      %sub3A_128 = arith.subi %reduce_min3A_47, %multiple_of3A_93 : i32
      %iota3A_129 = tpu.iota {dimensions = array<i32: 0>} : vector<16xi32>
      %broadcast_in_dim3A_130 = vector.broadcast %sub3A_128 : i32 to vector<16xi32>
      %add3A_131 = arith.constant 0 : i32
      %add3A_132 = vector.broadcast %add3A_131 : i32 to vector<16xi32>
      %add3A_133 = arith.addi %iota3A_129, %add3A_132 : vector<16xi32>
      %gather3A_134 = tpu.vector_load_idx %arg11[%add3A_133, %broadcast_in_dim3A_130] : memref<64x128xf32, #tpu.memory_space<vmem>>[vector<16xi32>, vector<16xi32>], vector<16xf32>,
      %add3A_135 = arith.constant 16 : i32
      %add3A_136 = vector.broadcast %add3A_135 : i32 to vector<16xi32>
      %add3A_137 = arith.addi %iota3A_129, %add3A_136 : vector<16xi32>
      %gather3A_138 = tpu.vector_load_idx %arg11[%add3A_137, %broadcast_in_dim3A_130] : memref<64x128xf32, #tpu.memory_space<vmem>>[vector<16xi32>, vector<16xi32>], vector<16xf32>,
      %add3A_139 = arith.constant 32 : i32
      %add3A_140 = vector.broadcast %add3A_139 : i32 to vector<16xi32>
      %add3A_141 = arith.addi %iota3A_129, %add3A_140 : vector<16xi32>
      %gather3A_142 = tpu.vector_load_idx %arg11[%add3A_141, %broadcast_in_dim3A_130] : memref<64x128xf32, #tpu.memory_space<vmem>>[vector<16xi32>, vector<16xi32>], vector<16xf32>,
      %add3A_143 = arith.constant 48 : i32
      %add3A_144 = vector.broadcast %add3A_143 : i32 to vector<16xi32>
      %add3A_145 = arith.addi %iota3A_129, %add3A_144 : vector<16xi32>
      %gather3A_146 = tpu.vector_load_idx %arg11[%add3A_145, %broadcast_in_dim3A_130] : memref<64x128xf32, #tpu.memory_space<vmem>>[vector<16xi32>, vector<16xi32>], vector<16xf32>,
      %sub3A_147 = arith.subf %gather3A, %gather3A_134 : vector<16xf32>
      %abs3A = math.absf %sub3A_147 : vector<16xf32>
      %sub3A_148 = arith.subf %gather3A_119, %gather3A_138 : vector<16xf32>
      %abs3A_149 = math.absf %sub3A_148 : vector<16xf32>
      %sub3A_150 = arith.subf %gather3A_123, %gather3A_142 : vector<16xf32>
      %abs3A_151 = math.absf %sub3A_150 : vector<16xf32>
      %sub3A_152 = arith.subf %gather3A_127, %gather3A_146 : vector<16xf32>
      %abs3A_153 = math.absf %sub3A_152 : vector<16xf32>
      %iota3A_154 = tpu.iota {dimensions = array<i32: 0>} : vector<16xi32>
      %lt3A = arith.constant 2 : i32
      %lt3A_155 = vector.broadcast %lt3A : i32 to vector<16xi32>
      %lt3A_156 = arith.cmpi slt, %iota3A_154, %lt3A_155 : vector<16xi32>
      %jit3A_157 = arith.constant 0x7F800000 : f32
      %broadcast_in_dim3A_158 = vector.broadcast %jit3A_157 : f32 to vector<16xf32>
      %select_n3A_159 = arith.select %lt3A_156, %abs3A_153, %broadcast_in_dim3A_158 : vector<16xi1>, vector<16xf32>
      %min3A = arith.minimumf %abs3A, %abs3A_149 : vector<16xf32>
      %min3A_160 = arith.minimumf %abs3A_151, %select_n3A_159 : vector<16xf32>
      %min3A_161 = arith.minimumf %min3A, %min3A_160 : vector<16xf32>
      %reduce_min3A_162 = arith.constant true
      %reduce_min3A_163 = vector.broadcast %reduce_min3A_162 : i1 to vector<16xi1>
      %reduce_min3A_164 = tpu.scan <min>, %min3A_161 masked %reduce_min3A_163 : vector<16xf32>, vector<16xi1> -> vector<16xf32>
      %reduce_min3A_165 = vector.extract %reduce_min3A_164[15] : f32 from vector<16xf32>
      %dma_wait3A_166 = arith.constant 0 : i32
      %dma_wait3A_167 = tpu.memref_slice %arg9[%dma_wait3A_166] : memref<16xf32, #tpu.memory_space<vmem>> -> memref<1xf32, #tpu.memory_space<vmem>>
      %dma_wait3A_168 = arith.constant 0 : i32
      %dma_wait3A_169 = tpu.memref_slice %arg9[%dma_wait3A_168] : memref<16xf32, #tpu.memory_space<vmem>> -> memref<1xf32, #tpu.memory_space<vmem>>
      tpu.wait_dma2 semaphore(%arg15 : memref<!tpu.dma_semaphore, #tpu.memory_space<semaphore_mem>>) src(%arg4 : memref<1xf32, #tpu.memory_space<hbm>>) dst(%dma_wait3A_169 : memref<1xf32, #tpu.memory_space<vmem>>)
      %get3A_170 = arith.constant 0 : index
      %get3A_171 = tpu.vector_load %arg9[%get3A_170] {strides = array<i32>} : memref<16xf32, #tpu.memory_space<vmem>>, vector<16xf32>,
      %eq3A_172 = arith.constant 0 : i32
      %eq3A_173 = vector.broadcast %eq3A_172 : i32 to vector<16xi32>
      %eq3A_174 = arith.cmpi eq, %iota3A_154, %eq3A_173 : vector<16xi32>
      %jit3A_175 = arith.constant 0x7F800000 : f32
      %broadcast_in_dim3A_176 = vector.broadcast %jit3A_175 : f32 to vector<16xf32>
      %select_n3A_177 = arith.select %eq3A_174, %get3A_171, %broadcast_in_dim3A_176 : vector<16xi1>, vector<16xf32>
      %reduce_min3A_178 = arith.constant true
      %reduce_min3A_179 = vector.broadcast %reduce_min3A_178 : i1 to vector<16xi1>
      %reduce_min3A_180 = tpu.scan <min>, %select_n3A_177 masked %reduce_min3A_179 : vector<16xf32>, vector<16xi1> -> vector<16xf32>
      %reduce_min3A_181 = vector.extract %reduce_min3A_180[15] : f32 from vector<16xf32>
      %sub3A_182 = arith.subf %reduce_min3A_165, %reduce_min3A_181 : f32
      %abs3A_183 = math.absf %sub3A_182 : f32
      %lt3A_184 = arith.cmpf olt, %reduce_min3A_165, %reduce_min3A_181 : f32
      %mul3A_185 = arith.constant 1.000000e+02 : f32
      %mul3A_186 = arith.mulf %mul3A_185, %abs3A_183 : f32
      %select_n3A_187 = arith.select %lt3A_184, %mul3A_186, %abs3A_183 : f32
      %broadcast_in_dim3A_188 = vector.broadcast %select_n3A_187 : f32 to vector<16xf32>
      %swap3A = arith.constant 0 : index
      %swap3A_189 = tpu.vector_load %arg12[%swap3A] {strides = array<i32>} : memref<16xf32, #tpu.memory_space<vmem>>, vector<16xf32>,
      tpu.vector_store %arg12[%swap3A], %broadcast_in_dim3A_188 {strides = array<i32>} : memref<16xf32, #tpu.memory_space<vmem>>, vector<16xf32>,
      "tpu.region"() ({
        %run_scoped3A = tpu.sem_alloc : memref<!tpu.dma_semaphore, #tpu.memory_space<semaphore_mem>>
        tpu.enqueue_dma source(%arg12 : memref<16xf32, #tpu.memory_space<vmem>>) target(%arg6 : memref<16xf32, #tpu.memory_space<hbm>>) target_semaphore(%run_scoped3A : memref<!tpu.dma_semaphore, #tpu.memory_space<semaphore_mem>>)
        tpu.wait_dma2 semaphore(%run_scoped3A : memref<!tpu.dma_semaphore, #tpu.memory_space<semaphore_mem>>) src(%arg12 : memref<16xf32, #tpu.memory_space<vmem>>) dst(%arg6 : memref<16xf32, #tpu.memory_space<hbm>>)
        tpu.yield
      }) : () -> ()
    } else {
    }
    return
  }
}

</mosaic_0001>

<sc_bundles>
// kernel: kernel.3.cloned.1.call-start
scs
__scs_entry_jumppad:
0x0: {  	(pc) =	sbr.rel $0x88, $3  }
0x1: {  	(tag) =	ssettag $0x0;
	lr =	simm.s32 $0x1  }
0x2: {  	[smem:$0x3F9D] =	sst lr;
	_ =	strace $0xD0000000  }
0x3: {  	_ = 	snop  }
0x4: {  	_ = 	snop  }
0x5: {  	_ = 	snop  }
0x6: {  	_ = 	snop  }
0x7: {  	_ = 	snop  }
__scs_overlays_trampoline_lowered:
0x8: {  	[smem:$0x3FAC] =	sst s0  }
0x9: {  	[smem:$0x3FAD] =	sst s1  }
0xa: {  	[smem:$0x3FAE] =	sst s2  }
0xb: {  	[smem:$0x3FAF] =	sst s3  }
0xc: {  	[smem:$0x3FB0] =	sst s4  }
0xd: {  	[smem:$0x3FB1] =	sst s5  }
0xe: {  	[smem:$0x3FB2] =	sst s6  }
0xf: {  	[smem:$0x3FB3] =	sst s7  }
0x10: {  	[smem:$0x3FB4] =	sst s8  }
0x11: {  	[smem:$0x3FB5] =	sst s9;
	s0 =	simm.s32 @!p0 $0x0  }
0x12: {  	s1 =	sld [smem:$0x3F9B];
	s0 =	simm.s32 @p0 $0x1  }
0x13: {  	[smem:$0x3FB6] =	sst s0;
	s0 =	simm.s32 @!p1 $0x0  }
0x14: {  	s2 =	sld [smem:$0x3F9A];
	s0 =	simm.s32 @p1 $0x1  }
0x15: {  	[smem:$0x3FB7] =	sst s0;
	s0 =	simm.s32 @!p2 $0x0  }
0x16: {  	s3 =	sld [smem:$0x3FDB];
	s0 =	simm.s32 @p2 $0x1  }
0x17: {  	s4 =	simm.s32 $0x1BF5;
	[smem:$0x3FB9] =	sst s0  }
0x18: {  	s0 =	sld [smem:$0x3F9C];
	_ =	swait.ge [sflag:s4], $0x0  }
0x19: {  	s7 =	sld [smem:$0x3F9D]  }
0x1a: {  	s8 =	sadd.s32 $0xFFFFE003, lr  }
0x1b: {  	s9 =	sadd.s32 $0xFFFFFEF7, lr;
	s5 =	simm.s32 $0xFFFFFFFF;
	p2 =	slt.u32 s8, $0xFFFFF086  }
0x1c: {  	p1 =	slt.u32 s9, $0xF7A;
	s5 =	simm.s32 @!p2 $0x0  }
0x1d: {  	s5 =	simm.s32 @p1 $0x1;
	p0 =	seq.s32 s7, s2  }
0x1e: {  	s7 =	smul.u32 @!p0 $0xF7A, s2;
	p2 =	seq.s32 @!p0 s5, $0x0  }
0x1f: {  	s9 =	smul.u32 $0xF7A, s1;
	s8 =	simm.s32 @!p0 $0x1BF5;
	p2 =	por !p2, p0  }
0x20: {  	[sflag:s8] =	ssyncset.s32 @!p0 $0xFFFFF086;
	s6 =	sadd.s32 @!p0 s3, s7;
	s7 =	simm.s32 @!p0 $0x108  }
0x21: {  	s3 =	sadd.s32 s3, s9;
	s6 =	sadd.s32 @!p0 $0x88, s6;
	s7 =	simm.s32 @p2 $0x1082  }
0x22: {  	[simem:s7], [sflag:s8] =	dma.local @!p0 [hbm:s6], $0xF7A  }
0x23: {  	s9 =	sor.u32 $0xD0000000, s2;
	s6 =	simm.s32 $0x108;
	_ =	swait.ge @!p0 [sflag:s8], $0x0  }
0x24: {  	s3 =	sadd.s32 $0x88, s3;
	s6 =	simm.s32 @!p1 $0x1082;
	[sflag:s4] =	ssyncset.s32 $0xFFFFF086  }
0x25: {  	[simem:s6], [sflag:s4] =	dma.local [hbm:s3], $0xF7A  }
0x26: {  	[smem:$0x3F9D] =	sst s1;
	(tag) =	ssettag s2;
	_ =	strace s9  }
0x27: {  	s1 =	sld [smem:$0x3FAD]  }
0x28: {  	s2 =	sld [smem:$0x3FAE]  }
0x29: {  	s4 =	sld [smem:$0x3FB0]  }
0x2a: {  	p0 =	seq.s32 s5, $0x0;
	s5 =	sld [smem:$0x3FB1]  }
0x2b: {  	s6 =	sld [smem:$0x3FB2]  }
0x2c: {  	s7 =	sld [smem:$0x3FB3]  }
0x2d: {  	s3 =	simm.s32 $0x108;
	s8 =	sld [smem:$0x3FB4]  }
0x2e: {  	s3 =	simm.s32 @!p0 $0x1082;
	s9 =	sld [smem:$0x3FB5]  }
0x2f: {  	lr =	sadd.s32 s0, s3;
	s0 =	sld [smem:$0x3FAC]  }
0x30: {  	s3 =	sld [smem:$0x3FAF]  }
0x31: {  	[smem:$0x3FB8] =	sst s10  }
0x32: {  	s10 =	sld [smem:$0x3FB6];
	_ =	sdelay $0x3  }
0x33: {  	p0 =	seq.s32 s10, $0x1;
	s10 =	sld [smem:$0x3FB8];
	_ =	sdelay $0x3  }
0x34: {  	[smem:$0x3FB8] =	sst s10  }
0x35: {  	s10 =	sld [smem:$0x3FB7];
	_ =	sdelay $0x3  }
0x36: {  	p1 =	seq.s32 s10, $0x1;
	s10 =	sld [smem:$0x3FB8];
	_ =	sdelay $0x3  }
0x37: {  	[smem:$0x3FB8] =	sst s10  }
0x38: {  	s10 =	sld [smem:$0x3FB9]  }
0x39: {  	_ = 	snop;
	(pc) =	sbr.ind lr, $3  }
0x3a: {  	_ = 	snop  }
0x3b: {  	_ = 	snop  }
0x3c: {  	p2 =	seq.s32 s10, $0x1;
	s10 =	sld [smem:$0x3FB8]  }
0x3d: {  	_ =	shalt  }
0x3e: {  	_ =	shalt  }
0x3f: {  	_ =	shalt  }
0x40: {  	_ =	shalt  }
0x41: {  	_ =	shalt  }
0x42: {  	_ =	shalt  }
0x43: {  	_ =	shalt  }
0x44: {  	_ =	shalt  }
0x45: {  	_ =	shalt  }
0x46: {  	_ =	shalt  }
0x47: {  	_ =	shalt  }
0x48: {  	_ =	shalt  }
0x49: {  	_ =	shalt  }
0x4a: {  	_ =	shalt  }
0x4b: {  	_ =	shalt  }
0x4c: {  	_ =	shalt  }
0x4d: {  	_ =	shalt  }
0x4e: {  	_ =	shalt  }
0x4f: {  	_ =	shalt  }
0x50: {  	_ =	shalt  }
0x51: {  	_ =	shalt  }
0x52: {  	_ =	shalt  }
0x53: {  	_ =	shalt  }
0x54: {  	_ =	shalt  }
0x55: {  	_ =	shalt  }
0x56: {  	_ =	shalt  }
0x57: {  	_ =	shalt  }
0x58: {  	_ =	shalt  }
0x59: {  	_ =	shalt  }
0x5a: {  	_ =	shalt  }
0x5b: {  	_ =	shalt  }
0x5c: {  	_ =	shalt  }
0x5d: {  	_ =	shalt  }
0x5e: {  	_ =	shalt  }
0x5f: {  	_ =	shalt  }
0x60: {  	_ =	shalt  }
0x61: {  	_ =	shalt  }
0x62: {  	_ =	shalt  }
0x63: {  	_ =	shalt  }
0x64: {  	_ =	shalt  }
0x65: {  	_ =	shalt  }
0x66: {  	_ =	shalt  }
0x67: {  	_ =	shalt  }
0x68: {  	_ =	shalt  }
0x69: {  	_ =	shalt  }
0x6a: {  	_ =	shalt  }
0x6b: {  	_ =	shalt  }
0x6c: {  	_ =	shalt  }
0x6d: {  	_ =	shalt  }
0x6e: {  	_ =	shalt  }
0x6f: {  	_ =	shalt  }
0x70: {  	_ =	shalt  }
0x71: {  	_ =	shalt  }
0x72: {  	_ =	shalt  }
0x73: {  	_ =	shalt  }
0x74: {  	_ =	shalt  }
0x75: {  	_ =	shalt  }
0x76: {  	_ =	shalt  }
0x77: {  	_ =	shalt  }
0x78: {  	_ =	shalt  }
0x79: {  	_ =	shalt  }
0x7a: {  	_ =	shalt  }
0x7b: {  	_ =	shalt  }
0x7c: {  	_ =	shalt  }
0x7d: {  	_ =	shalt  }
0x7e: {  	_ =	shalt  }
0x7f: {  	_ =	shalt  }
0x80: {  	_ =	shalt  }
0x81: {  	_ =	shalt  }
0x82: {  	_ =	shalt  }
0x83: {  	_ =	shalt  }
0x84: {  	_ =	shalt  }
0x85: {  	_ =	shalt  }
0x86: {  	_ =	shalt  }
0x87: {  	_ =	shalt  }
.Lfunc_end0:
.L_simem_size_0:
called_computation_lowered:
.L_overlay_start_0:
0x88: {  	s0 =	sld [smem:$0x3FD9]  }
0x89: {  	s1 =	sld [smem:$0x3FFE];
	_ =	sdelay $0x3  }
0x8a: {  	s0 =	sadd.s32 s1, s0  }
0x8b: {  	[smem:$0x3FC4] =	sst s0  }
0x8c: {  	_ = 	snop  }
0x8d: {  	s0 =	sld [smem:$0x3FC9]  }
0x8e: {  	s17 =	sld [smem:$0x3FC8]  }
0x8f: {  	s2 =	sld [smem:$0x3FC7]  }
0x90: {  	s3 =	sld [smem:$0x3FC6]  }
0x91: {  	s4 =	sld [smem:$0x3FD0];
	(tm) =	ssettm $0x1  }
0x92: {  	s5 =	sld [smem:$0x3FFB];
	_ =	sdelay $0x3  }
0x93: {  	_ =	strace s5  }
0x94: {  	s5 =	sld [smem:$0x3FFC];
	_ =	sdelay $0x3  }
0x95: {  	_ =	strace s5  }
0x96: {  	s5 =	sld [smem:$0x3FFD];
	_ =	sdelay $0x3  }
0x97: {  	_ =	strace s5  }
0x98: {  	_ =	strace $0x8FFFFFFF  }
0x99: {  	s18 =	sld [smem:$0x3FDB];
	_ =	sdelay $0x1  }
0x9a: {  	s6 =	simm.s32 $_scs_section_size  }
0x9b: {  	s7 =	simm.s32 $_size__tile_overlayer_lowered;
	s8 =	simm.s32 $_tile_overlayer_lowered  }
0x9c: {  	s21 =	simm.s32 $0x1BFF;
	s20 =	sshll.u32 s8, $0x1;
	s5 =	sadd.s32 s6, s18  }
0x9d: {  	s9 =	simm.s32 $0x0;
	s19 =	sshll.u32 s7, $0x1;
	s7 =	sadd.s32 s20, s5  }
0x9e: {  	[timem:s9], [sflag:s21] =	dma.local [hbm:s7], s19  }
0x9f: {  	_ =	swait.ge [sflag:s21], s19  }
0xa0: {  	s6 =	ssub.s32 $0x0, s19;
	[sflag:s21] =	ssyncset.done $0x0  }
0xa1: {  	[sflag:s21] =	ssyncadd.s32 s6;
	_ =	sdelay $0x1  }
0xa2: {  	s22 =	simm.s32 $0x1B8B  }
0xa3: {  	_ =	swait.ge [sflag:s22], $0x1  }
0xa4: {  	[sflag:s22] =	ssyncset.done $0x0  }
0xa5: {  	s23 =	simm.s32 $0x1B8E;
	[sflag:s22] =	ssyncadd.s32 $0xFFFFFFFF  }
0xa6: {  	s24 =	simm.s32 $execute0_lowered;
	[smem:$0x3FD2] =	sst s23  }
0xa7: {  	s6 =	sshll.u32 s24, $0x1;
	_ =	strace $0x80000046;
	[dreg:$0x1] =	wrdreg $0xFFFFFFFF  }
0xa8: {  	s25 =	simm.s32 $_size_execute0_lowered;
	s5 =	sadd.s32 s5, s6;
	[dreg:$0x0] =	wrdreg $0x0  }
0xa9: {  	s6 =	sshll.u32 s25, $0x1;
	[dreg:$0x2] =	wrdreg s5  }
0xaa: {  	[dreg:$0x3] =	wrdreg s6  }
0xab: {  	[dreg:$0x4] =	wrdreg $0xC0  }
0xac: {  	_ =	task [dreg:s9], $0x5FFFF  }
0xad: {  	[dreg:$0x1] =	wrdreg $0xFFFFFFFF  }
0xae: {  	[dreg:$0x0] =	wrdreg $0x60  }
0xaf: {  	[dreg:$0x2] =	wrdreg s0  }
0xb0: {  	[dreg:$0x3] =	wrdreg s17  }
0xb1: {  	[dreg:$0x4] =	wrdreg s2  }
0xb2: {  	[dreg:$0x5] =	wrdreg s3  }
0xb3: {  	[dreg:$0x6] =	wrdreg s4  }
0xb4: {  	[dreg:$0x7] =	wrdreg $0x9  }
0xb5: {  	_ =	task.clear_ibuf [dreg:s9], $0x8FFFF;
	_ =	strace $0x90000046  }
0xb6: {  	s26 =	simm.s32 $0x9;
	_ =	strace $0x80000048  }
0xb7: {  	_ =	swait.ge [sflag:s26], $0x1  }
0xb8: {  	[sflag:s26] =	ssyncadd.s32 $0xFFFFFFFF  }
0xb9: {  	_ =	strace $0x90000048  }
0xba: {  	_ =	sfence  }
0xbb: {  	s28 =	sld [smem:$0x0];
	_ =	sdelay $0x1  }
0xbc: {  	s29 =	srdreg.scid  }
0xbd: {  	s30 =	sshll.u32 s29, $0xD;
	s31 =	sshrl.u32 s29, $0x2  }
0xbe: {  	s1 =	sand.u32 $0x1, s29;
	s2 =	sand.u32 $0x4000, s30;
	s0 =	sadd.s32 s31, s28  }
0xbf: {  	s1 =	sor.u32 s2, s1;
	s0 =	sshll.u32 s0, $0x11  }
0xc0: {  	s0 =	sor.u32 s0, s1  }
0xc1: {  	s0 =	sadd.s32 $0x8F2B, s0  }
0xc2: {  	[sflag:s0] =	ssyncadd.remote.s32 $0x1  }
0xc3: {  	_ =	sfence.sel $0xFFFF  }
0xc4: {  	[dreg:$0x0] =	wrdreg $0xFFFFFFFF;
	(pc) =	sbr.abs _section_cstart, $3  }
0xc5: {  	[dreg:$0x1] =	wrdreg $0xFFFFFFFF  }
0xc6: {  	_ =	task.clear_ibuf [dreg:s9], $0x2FFFF;
	_ =	strace $0x9FFFFFFF  }
0xc7: {  	(tm) =	ssettm $0x7FFFFFFF  }
tec
execute0_lowered:
.L_overlay_start_1:
0x0: {  	(tag) =	ssettag $0x1  }
0x1: {  	s6 =	rddreg [dreg:$0x0];
	s7 =	stileid.u32  }
0x2: {  	s5 =	rddreg [dreg:$0x1];
	p0 =	sne.s32 s7, $0x0  }
.Ltmp0:
0x3: {  	s4 =	rddreg [dreg:$0x2];
	(pc) =	sbr.rel @p0 .LBB2_2-.Ltmp0, $4  }
0x4: {  	s3 =	rddreg [dreg:$0x3]  }
0x5: {  	s1 =	rddreg [dreg:$0x4];
	s2 =	simm.s32 $0x0  }
0x6: {  	[smem:$0x7FF] =	sst s2  }
0x7: {  	s0 =	rddreg [dreg:$0x5];
	_ =	strace $0x80000047  }
0x8: {  	[tilespmem:s2], [sflag:$0x1] =	stream.linear.gather [hbm4b:s6+s2], $0x10, $0x38;
	[tilespmem:$0x4200] =	vst v63  }
0x9: {  	s9 =	simm.s32 $0x80  }
0xa: {  	[tilespmem:s9], [sflag:$0x2] =	stream.linear.gather [hbm4b:s5+s2], $0x10, $0x38;
	[tilespmem:$0x4200] =	vst v63  }
0xb: {  	s10 =	simm.s32 $0x100  }
0xc: {  	[tilespmem:s10], [sflag:$0x3] =	stream.linear.gather [hbm4b:s4+s2], $0x1, $0x38;
	[tilespmem:$0x4200] =	vst v63  }
0xd: {  	s4 =	simm.s32 $0x1  }
0xe: {  	_ =	swait.ge [sflag:s4], $0x10  }
0xf: {  	[sflag:s4] =	ssyncset.done $0x0  }
0x10: {  	s11 =	simm.s32 $0x2;
	[sflag:s4] =	ssyncadd.s32 $0xFFFFFFF0  }
0x11: {  	_ =	swait.ge [sflag:s11], $0x10  }
0x12: {  	[sflag:s11] =	ssyncset.done $0x0  }
0x13: {  	[sflag:s11] =	ssyncadd.s32 $0xFFFFFFF0  }
0x14: {  	v0 =	vld [tilespmem:$0x0];
	_ =	sdelay $0x1  }
0x15: {  	v1 =	vld [tilespmem:$0x80];
	_ =	sdelay $0x1  }
0x16: {  	vm0 =	vmmov $0x1  }
0x17: {  	v0 =	vnsel vm0, $0x7FFFFFFF, v0  }
0x18: {  	v0 =	vxor.u32 $0x80000000, v0  }
0x19: {  	v55 =	vnsel vm0, $0x7FFFFFFF, v1;
	(xrf0) =	vmin.scan.msk.u32 $0xffff, v0  }
0x1a: {  	v0 =	vxor.u32 $0x80000000, v55  }
0x1b: {  	(xrf0) =	vmin.scan.msk.u32 $0xffff, v0;
	_ =	sdelay $0x3  }
0x1c: {  	v56, _, _ =	vpop (xrf0)  }
0x1d: {  	(v2sf) =	vpush v56, $0xF  }
0x1e: {  	v57, _, _ =	vpop (xrf0)  }
0x1f: {  	(v2sf) =	vpush v57, $0xF;
	_ =	sdelay $0xc  }
0x20: {  	s8 =	simm.s32 $0x1;
	s12 =	spop (v2sf)  }
0x21: {  	s18 =	simm.s32 $0x400;
	s13 =	sxor.u32 $0x80000000, s12;
	p2 =	sgt.s32 s12, $0xFFFFFFFF  }
0x22: {  	s5 =	sand.u32 $0x7F, s12;
	s14 =	spop (v2sf);
	p1 =	slt.s32 s13, $0x1  }
0x23: {  	p3 =	sne.s32 s5, $0x0;
	s7 =	sshra.s32 s13, $0x1F;
	s9 =	sxor.u32 $0x80000000, s14  }
0x24: {  	p5 =	sgt.s32 s14, $0xFFFFFFFF;
	s5 =	sand.u32 $0x7F, s14;
	p1 =	por p2, p1  }
0x25: {  	s7 =	sshrl.u32 s7, $0x19;
	p4 =	slt.s32 s9, $0x1;
	p1 =	por !p3, !p1  }
0x26: {  	s10 =	sshra.s32 s9, $0x1F;
	p6 =	sne.s32 s5, $0x0;
	p1 =	por !p1, !p1  }
0x27: {  	s7 =	sadd.s32 s7, s13;
	s8 =	simm.s32 @!p1 $0x0;
	p1 =	por p5, p4  }
0x28: {  	s16 =	sshrl.u32 s10, $0x19;
	s15 =	sshrl.u32 s7, $0x7;
	p1 =	por !p6, !p1  }
0x29: {  	s7 =	sadd.s32 s16, s9;
	s5 =	ssub.s32 s15, s8;
	p1 =	por !p1, !p1  }
0x2a: {  	s7 =	sshrl.u32 s7, $0x7;
	s5 =	sshll.u32 s5, $0x7;
	s4 =	simm.s32 @!p1 $0x0  }
0x2b: {  	s19 =	simm.s32 $0x7A1400;
	s17 =	sand.u32 $0x1FFFFF80, s5;
	s4 =	ssub.s32 s7, s4  }
0x2c: {  	s11 =	simm.s32 $0x180;
	s7 =	sadd.s32 s3, s17;
	s4 =	sshll.u32 s4, $0x7  }
0x2d: {  	[tilespmem:s11], [sflag:$0x4] =	stream.strided.gather [hbm4b:s7+s18], $0x2000, s19, s18, $0x38;
	[tilespmem:$0x4200] =	vst v63  }
0x2e: {  	s20 =	sand.u32 $0x1FFFFF80, s4  }
0x2f: {  	s22 =	simm.s32 $0x2180;
	v58 =	vlaneseq.u32;
	s23 =	simm.s32 $0x4;
	s21 =	sadd.s32 s3, s20  }
0x30: {  	v0 =	vmul.u32 $0x80, v58;
	[tilespmem:s22], [sflag:$0x5] =	stream.strided.gather [hbm4b:s21+s18], $0x2000, s19, s18, $0x38;
	[tilespmem:$0x4200] =	vst v63  }
0x31: {  	s5 =	ssub.s32 s13, s5;
	_ =	swait.ge [sflag:s23], $0x2000  }
0x32: {  	v2 =	vor.u32 $0x800, v0;
	v59 =	vadd.s32 s5, v0;
	[sflag:s23] =	ssyncset.done $0x0  }
0x33: {  	s24 =	simm.s32 $0x5;
	v4 =	vor.u32 $0x1000, v0;
	v3 =	vadd.s32 s5, v2;
	[sflag:s23] =	ssyncadd.s32 $0xFFFFE000  }
0x34: {  	v6 =	vor.u32 $0x1800, v0;
	v5 =	vadd.s32 s5, v4;
	_ =	swait.ge [sflag:s24], $0x2000  }
0x35: {  	v7 =	vadd.s32 s5, v6;
	s4 =	ssub.s32 s9, s4;
	[sflag:s24] =	ssyncset.done $0x0  }
0x36: {  	v0 =	vadd.s32 s4, v0;
	[sflag:s24] =	ssyncadd.s32 $0xFFFFE000  }
0x37: {  	v2 =	vadd.s32 s4, v2;
	v1 =	vld.idx.msk [tilespmem:v59+s11+$0x0], $0xffff  }
0x38: {  	v6 =	vadd.s32 s4, v6;
	v3 =	vld.idx.msk [tilespmem:v3+s11+$0x0], $0xffff  }
0x39: {  	v4 =	vadd.s32 s4, v4;
	v5 =	vld.idx.msk [tilespmem:v5+s11+$0x0], $0xffff  }
0x3a: {  	v7 =	vld.idx.msk [tilespmem:v7+s11+$0x0], $0xffff  }
0x3b: {  	v0 =	vld.idx.msk [tilespmem:v0+s22+$0x0], $0xffff  }
0x3c: {  	v2 =	vld.idx.msk [tilespmem:v2+s22+$0x0], $0xffff  }
0x3d: {  	v6 =	vld.idx.msk [tilespmem:v6+s22+$0x0], $0xffff  }
0x3e: {  	v4 =	vld.idx.msk [tilespmem:v4+s22+$0x0], $0xffff;
	_ =	sdelay $0x3  }
0x3f: {  	v0 =	vsub.f32 v1, v0;
	v60 =	vsub.f32 v7, v6  }
0x40: {  	v2 =	vsub.f32 v3, v2;
	v61 =	vsub.f32 v5, v4  }
0x41: {  	vm1 =	vmmov $0x3;
	v0 =	vand.u32 $0x7FFFFFFF, v0;
	v1 =	vand.u32 $0x7FFFFFFF, v60  }
0x42: {  	v2 =	vand.u32 $0x7FFFFFFF, v2;
	v3 =	vand.u32 $0x7FFFFFFF, v61;
	v1 =	vnsel vm1, $0x7F800000, v1  }
0x43: {  	v0 =	vmin.f32 v0, v2;
	v1 =	vmin.f32 v3, v1  }
0x44: {  	v0 =	vmin.f32 v0, v1  }
0x45: {  	(xrf0) =	vmin.scan.msk.f32 $0xffff, v0;
	_ =	sdelay $0x5  }
0x46: {  	v0, _, _ =	vpop (xrf0)  }
0x47: {  	(v2sf) =	vpush v0, $0xF;
	_ =	sdelay $0xe  }
0x48: {  	s26 =	simm.s32 $0x3;
	s25 =	spop (v2sf)  }
0x49: {  	_ =	swait.ge [sflag:s26], $0x1  }
0x4a: {  	[sflag:s26] =	ssyncset.done $0x0  }
0x4b: {  	[sflag:s26] =	ssyncadd.s32 $0xFFFFFFFF  }
0x4c: {  	v62 =	vld [tilespmem:$0x100];
	_ =	sdelay $0x4  }
0x4d: {  	v0 =	vnsel vm0, $0x7F800000, v62  }
0x4e: {  	(xrf0) =	vmin.scan.msk.f32 $0xffff, v0;
	_ =	sdelay $0x5  }
0x4f: {  	v0, _, _ =	vpop (xrf0)  }
0x50: {  	(v2sf) =	vpush v0, $0xF;
	_ =	sdelay $0xe  }
0x51: {  	s28 =	spop (v2sf)  }
0x52: {  	s29 =	ssub.f32 s25, s28;
	_ =	sdelay $0x1  }
0x53: {  	s5 =	sand.u32 $0x7FFFFFFF, s29  }
0x54: {  	p1 =	slt.f32 s25, s28;
	s3 =	smul.f32 $1.000000000e+02, s5  }
0x55: {  	_ = 	snop  }
0x56: {  	s5 =	smov.u32 @p1 s3  }
0x57: {  	v63 =	vmov s5  }
0x58: {  	s30 =	simm.s32 $0x4180;
	s31 =	simm.s32 $0x6;
	[tilespmem:$0x4180] =	vst v63  }
0x59: {  	[hbm4b:s1+s2] =	stream.linear.scatter [tilespmem:s30], [sflag:$0x6], $0x80, $0x38;
	[tilespmem:$0x4200] =	vst v63  }
0x5a: {  	_ =	swait.ge [sflag:s31], $0x80  }
0x5b: {  	[sflag:s31] =	ssyncset.done $0x0  }
0x5c: {  	[sflag:s31] =	ssyncadd.s32 $0xFFFFFF80  }
.LBB2_2:
0x5d: {  	_ =	sfence.sel $0x180000  }
0x5e: {  	[bflag:$0x0] =	sbarrier.arrive $0xFFFF  }
0x5f: {  	_ =	strace $0x90000047  }
0x60: {  	s0 =	sadd.s32 @!p0 $0x100000, s0;
	[bflag:$0x2] =	sbarrier.arrive $0xFFFF  }
0x61: {  	[sflag:s0] =	ssyncadd.tile.s32 @!p0 $0x1;
	_ =	shalt  }
.Lfunc_end2:
_tile_overlayer_lowered:
.L_overlay_start_2:
0x62: {  	(tag) =	ssettag $0x2  }
0x63: {  	s0 =	rddreg [dreg:$0x0];
	s2 =	stileid.u32  }
0x64: {  	s1 =	rddreg [dreg:$0x1];
	p0 =	sne.s32 s2, $0x0  }
0x65: {  	s3 =	rddreg [dreg:$0x2];
	[bflag:$0x3] =	sbarrier.arrive $0xFFFF;
	s2 =	simm.s32 @!p0 $0x1C06  }
0x66: {  	[timem:s3], [sflag:s2] =	dma.local @!p0 [hbm:s0], s1  }
0x67: {  	s0 =	simm.s32 @!p0 $0x6  }
0x68: {  	_ =	swait.ge @!p0 [sflag:s0], s1  }
0x69: {  	s1 =	ssub.s32 @!p0 $0x0, s1;
	[sflag:s0] =	ssyncset.done @!p0 $0x0  }
0x6a: {  	[sflag:s0] =	ssyncadd.s32 @!p0 s1  }
0x6b: {  	[bflag:$0x3] =	sbarrier.arrive $0xFFFF  }
0x6c: {  	_ =	shalt  }

</sc_bundles>
